<compile_context>
chip_gen: v7x
topology: tpu7x:2x2x1
jax: 0.10.2.dev20260603
libtpu: 0.0.44.dev20260713+nightly
codegen_flags: <defaults>
</compile_context>

<pallas_src>
import jax
import jax.numpy as jnp
from jax import lax
from jax.experimental import pallas as pl
from jax.experimental.pallas import tpu as pltpu
from jax.experimental.pallas import tpu_sc as plsc

N_PRIORS = 20000
N_TRUTHS = 256
NP = 20480
NW = 32
PPW = NP // NW
NCH = PPW // 16


def _sc_body(px0_h, py0_h, px1_h, py1_h, pa_h,
             tx0_h, ty0_h, tx1_h, ty1_h, ta_h,
             rm_h, ra_h, bto_h,
             px0_v, py0_v, px1_v, py1_v, pa_v,
             tx0_v, ty0_v, tx1_v, ty1_v, ta_v,
             bto_v, rm_v, ra_v):
    wid = lax.axis_index("s") * 2 + lax.axis_index("c")
    base = wid * PPW
    pltpu.sync_copy(px0_h.at[pl.ds(base, PPW)], px0_v)
    pltpu.sync_copy(py0_h.at[pl.ds(base, PPW)], py0_v)
    pltpu.sync_copy(px1_h.at[pl.ds(base, PPW)], px1_v)
    pltpu.sync_copy(py1_h.at[pl.ds(base, PPW)], py1_v)
    pltpu.sync_copy(pa_h.at[pl.ds(base, PPW)], pa_v)
    pltpu.sync_copy(tx0_h, tx0_v)
    pltpu.sync_copy(ty0_h, ty0_v)
    pltpu.sync_copy(tx1_h, tx1_v)
    pltpu.sync_copy(ty1_h, ty1_v)
    pltpu.sync_copy(ta_h, ta_v)

    lanes = lax.iota(jnp.int32, 16)
    mask0 = lanes == 0
    big = jnp.full((16,), 2 ** 30, jnp.int32)

    def init_chunk(c, _):
        bto_v[pl.ds(c * 16, 16)] = jnp.zeros((16,), jnp.float32)
        return 0

    lax.fori_loop(0, NCH, init_chunk, 0)

    def truth_body(t, _):
        tsplat = jnp.full((16,), t, jnp.int32)
        tx0 = plsc.load_gather(tx0_v, [tsplat])
        ty0 = plsc.load_gather(ty0_v, [tsplat])
        tx1 = plsc.load_gather(tx1_v, [tsplat])
        ty1 = plsc.load_gather(ty1_v, [tsplat])
        ta = plsc.load_gather(ta_v, [tsplat])

        def chunk_body(c, carry):
            best, bchunk = carry
            sl = pl.ds(c * 16, 16)
            ix = jnp.minimum(px1_v[sl], tx1) - jnp.maximum(px0_v[sl], tx0)
            iy = jnp.minimum(py1_v[sl], ty1) - jnp.maximum(py0_v[sl], ty0)
            inter = jnp.maximum(ix, 0.0) * jnp.maximum(iy, 0.0)
            union = (pa_v[sl] + ta) - inter
            ov = inter / union
            bto_v[sl] = jnp.maximum(bto_v[sl], ov)
            better = ov > best
            best = jnp.maximum(best, ov)
            bchunk = jnp.where(better, jnp.full((16,), c, jnp.int32), bchunk)
            return best, bchunk

        best, bchunk = lax.fori_loop(
            0, NCH, chunk_body,
            (jnp.full((16,), -1.0, jnp.float32), jnp.zeros((16,), jnp.int32)))

        m = lax.reduce_max(best, (0,))
        cand = jnp.where(best == m, bchunk * 16 + lanes, big)
        a = lax.reduce_min(cand, (0,)) + base
        plsc.store_scatter(rm_v, [tsplat], jnp.full((16,), m), mask=mask0)
        plsc.store_scatter(ra_v, [tsplat], jnp.full((16,), a), mask=mask0)
        return 0

    lax.fori_loop(0, N_TRUTHS, truth_body, 0)

    pltpu.sync_copy(rm_v, rm_h.at[wid])
    pltpu.sync_copy(ra_v, ra_h.at[wid])
    pltpu.sync_copy(bto_v, bto_h.at[wid])


@jax.jit
def kernel(locs, params, truths):
    pri = jnp.concatenate([locs, params], axis=1).T
    pri = jnp.pad(pri, ((0, 0), (0, NP - N_PRIORS)))
    cx, cy, w, h, _alpha = pri
    px0 = cx - w * 0.5
    py0 = cy - h * 0.5
    px1 = cx + w * 0.5
    py1 = cy + h * 0.5
    pa = w * h
    ta = (truths[:, 2] - truths[:, 0]) * (truths[:, 3] - truths[:, 1])

    mesh = plsc.VectorSubcoreMesh(core_axis_name="c", subcore_axis_name="s",
                                  num_cores=2)
    sc = pl.kernel(
        _sc_body,
        out_type=[
            jax.ShapeDtypeStruct((NW, N_TRUTHS), jnp.float32),
            jax.ShapeDtypeStruct((NW, N_TRUTHS), jnp.int32),
            jax.ShapeDtypeStruct((NW, PPW), jnp.float32),
        ],
        mesh=mesh,
        scratch_types=[
            pltpu.VMEM((PPW,), jnp.float32),
            pltpu.VMEM((PPW,), jnp.float32),
            pltpu.VMEM((PPW,), jnp.float32),
            pltpu.VMEM((PPW,), jnp.float32),
            pltpu.VMEM((PPW,), jnp.float32),
            pltpu.VMEM((N_TRUTHS,), jnp.float32),
            pltpu.VMEM((N_TRUTHS,), jnp.float32),
            pltpu.VMEM((N_TRUTHS,), jnp.float32),
            pltpu.VMEM((N_TRUTHS,), jnp.float32),
            pltpu.VMEM((N_TRUTHS,), jnp.float32),
            pltpu.VMEM((PPW,), jnp.float32),
            pltpu.VMEM((N_TRUTHS,), jnp.float32),
            pltpu.VMEM((N_TRUTHS,), jnp.int32),
        ],
        compiler_params=pltpu.CompilerParams(needs_layout_passes=False),
    )
    rm, ra, bto = sc(px0, py0, px1, py1, pa,
                     truths[:, 0], truths[:, 1], truths[:, 2], truths[:, 3],
                     ta)
    return jnp.sum(rm) + jnp.sum(ra.astype(jnp.float32)) * 0.0 + jnp.sum(bto)

# --- scband reference (transcript-rebuilt; emitter-appended) ---
"""Pipeline reference for scband-iouloss-687194767538 (READ-ONLY COPY).

The authoritative reference and input builder live on the scoring server;
editing this copy changes nothing except your own understanding.
"""

import jax, jax.numpy as jnp
import numpy as np

BETA = 1.0
K = 5.0
THRESH = 0.5
N_PRIORS = 20000
N_TRUTHS = 256


def point_form(boxes):
    # (cx, cy, w, h) -> (xmin, ymin, xmax, ymax)
    return jnp.concatenate([boxes[:, :2] - boxes[:, 2:] / 2.0,
                            boxes[:, :2] + boxes[:, 2:] / 2.0], axis=1)


def intersect(box_a, box_b):
    max_xy = jnp.minimum(box_a[:, None, 2:], box_b[None, :, 2:])
    min_xy = jnp.maximum(box_a[:, None, :2], box_b[None, :, :2])
    inter = jnp.clip(max_xy - min_xy, 0.0, None)
    return inter[..., 0] * inter[..., 1]


def jaccard(box_a, box_b):
    inter = intersect(box_a, box_b)
    area_a = ((box_a[:, 2] - box_a[:, 0]) * (box_a[:, 3] - box_a[:, 1]))[:, None]
    area_b = ((box_b[:, 2] - box_b[:, 0]) * (box_b[:, 3] - box_b[:, 1]))[None, :]
    union = area_a + area_b - inter
    return inter / union


def setup_inputs(seed: int = 0) -> dict:
    key = jax.random.key(seed)
    k1, k2, k3 = jax.random.split(key, 3)
    locs = jax.random.uniform(k1, (N_PRIORS, 2), dtype=jnp.float32)
    params = jax.random.uniform(k2, (N_PRIORS, 3), dtype=jnp.float32)
    pts = jax.random.uniform(k3, (N_TRUTHS, 4), dtype=jnp.float32)
    truths = jnp.concatenate([jnp.minimum(pts[:, :2], pts[:, 2:]),
                              jnp.maximum(pts[:, :2], pts[:, 2:]) + 0.01], axis=1)
    return {"locs": locs, "params": params, "truths": truths}


def reference(locs, params, truths):
    sigmoid_alphas = jax.nn.sigmoid(params[:, -1])
    priors = jnp.concatenate([locs, params[:, :2]], axis=1)
    # torch.no_grad() block -> stop_gradient
    overlaps = jax.lax.stop_gradient(jaccard(truths, point_form(priors)))  # [T, N]
    best_truth_overlap = overlaps.max(axis=0)   # [N]
    best_truth_idx = overlaps.argmax(axis=0)    # [N]
    best_prior_overlap = overlaps.max(axis=1)   # [T]
    best_prior_idx = overlaps.argmax(axis=1)    # [T]
    best_truth_overlap = best_truth_overlap.at[best_prior_idx].set(best_prior_overlap)
    best_truth_idx = best_truth_idx.at[best_prior_idx].set(jnp.arange(truths.shape[0]))
    x_filter = jnp.where(best_truth_overlap > THRESH, 1.0, 0.0)
    x_filter = x_filter.at[best_prior_idx].set(K)
    msk = x_filter > 1e-07
    num = jnp.sum(jnp.where(msk, sigmoid_alphas * x_filter * best_truth_overlap, 0.0))
    num = num + BETA * jnp.sum(sigmoid_alphas)
    den = jnp.sum(jnp.where(msk, x_filter, 0.0))
    return num / den

if __name__ == "__main__":
    import jax
    _d = setup_inputs()
    print(jax.jit(kernel)(*tuple(_d.values())))

</pallas_src>

<mosaic_0001>
#map = affine_map<(d0, d1) -> (0)>
#map1 = affine_map<(d0, d1) -> (0, 0)>
module attributes {stable_mosaic.version = 14 : i64} {
  func.func @_sc_body(%arg0: i32, %arg1: i32, %arg2: memref<20480xf32, #tpu.memory_space<hbm>>, %arg3: memref<20480xf32, #tpu.memory_space<hbm>>, %arg4: memref<20480xf32, #tpu.memory_space<hbm>>, %arg5: memref<20480xf32, #tpu.memory_space<hbm>>, %arg6: memref<20480xf32, #tpu.memory_space<hbm>>, %arg7: memref<256xf32, #tpu.memory_space<hbm>>, %arg8: memref<256xf32, #tpu.memory_space<hbm>>, %arg9: memref<256xf32, #tpu.memory_space<hbm>>, %arg10: memref<256xf32, #tpu.memory_space<hbm>>, %arg11: memref<256xf32, #tpu.memory_space<hbm>>, %arg12: memref<32x256xf32, #tpu.memory_space<hbm>>, %arg13: memref<32x256xi32, #tpu.memory_space<hbm>>, %arg14: memref<32x640xf32, #tpu.memory_space<hbm>>, %arg15: memref<640xf32, #tpu.memory_space<vmem>>, %arg16: memref<640xf32, #tpu.memory_space<vmem>>, %arg17: memref<640xf32, #tpu.memory_space<vmem>>, %arg18: memref<640xf32, #tpu.memory_space<vmem>>, %arg19: memref<640xf32, #tpu.memory_space<vmem>>, %arg20: memref<256xf32, #tpu.memory_space<vmem>>, %arg21: memref<256xf32, #tpu.memory_space<vmem>>, %arg22: memref<256xf32, #tpu.memory_space<vmem>>, %arg23: memref<256xf32, #tpu.memory_space<vmem>>, %arg24: memref<256xf32, #tpu.memory_space<vmem>>, %arg25: memref<640xf32, #tpu.memory_space<vmem>>, %arg26: memref<256xf32, #tpu.memory_space<vmem>>, %arg27: memref<256xi32, #tpu.memory_space<vmem>>) attributes {dimension_semantics = [#tpu.dimension_semantics<core_parallel>, #tpu.dimension_semantics<subcore_parallel>], iteration_bounds = array<i64: 2, 16>, scalar_prefetch = 0 : i64, scratch_operands = 13 : i64, tpu.core_type = #tpu.core_type<sc_vector_subcore>, window_params = [{transform_indices = #map}, {transform_indices = #map}, {transform_indices = #map}, {transform_indices = #map}, {transform_indices = #map}, {transform_indices = #map}, {transform_indices = #map}, {transform_indices = #map}, {transform_indices = #map}, {transform_indices = #map}, {transform_indices = #map1}, {transform_indices = #map1}, {transform_indices = #map1}]} {
    %mul3A = arith.constant 2 : i32
    %mul3A_0 = arith.muli %arg1, %mul3A : i32
    %add3A = arith.addi %mul3A_0, %arg0 : i32
    %mul3A_1 = arith.constant 640 : i32
    %mul3A_2 = arith.muli %add3A, %mul3A_1 : i32
    "tpu.region"() ({
      %run_scoped3A = tpu.sem_alloc : memref<!tpu.dma_semaphore, #tpu.memory_space<semaphore_mem>>
      %dma_start3A = tpu.memref_slice %arg2[%mul3A_2] : memref<20480xf32, #tpu.memory_space<hbm>> -> memref<640xf32, #tpu.memory_space<hbm>>
      %dma_start3A_19 = tpu.memref_slice %arg2[%mul3A_2] : memref<20480xf32, #tpu.memory_space<hbm>> -> memref<640xf32, #tpu.memory_space<hbm>>
      tpu.enqueue_dma source(%dma_start3A_19 : memref<640xf32, #tpu.memory_space<hbm>>) target(%arg15 : memref<640xf32, #tpu.memory_space<vmem>>) target_semaphore(%run_scoped3A : memref<!tpu.dma_semaphore, #tpu.memory_space<semaphore_mem>>)
      %dma_wait3A = tpu.memref_slice %arg2[%mul3A_2] : memref<20480xf32, #tpu.memory_space<hbm>> -> memref<640xf32, #tpu.memory_space<hbm>>
      %dma_wait3A_20 = tpu.memref_slice %arg2[%mul3A_2] : memref<20480xf32, #tpu.memory_space<hbm>> -> memref<640xf32, #tpu.memory_space<hbm>>
      tpu.wait_dma2 semaphore(%run_scoped3A : memref<!tpu.dma_semaphore, #tpu.memory_space<semaphore_mem>>) src(%dma_wait3A_20 : memref<640xf32, #tpu.memory_space<hbm>>) dst(%arg15 : memref<640xf32, #tpu.memory_space<vmem>>)
      tpu.yield
    }) : () -> ()
    "tpu.region"() ({
      %run_scoped3A = tpu.sem_alloc : memref<!tpu.dma_semaphore, #tpu.memory_space<semaphore_mem>>
      %dma_start3A = tpu.memref_slice %arg3[%mul3A_2] : memref<20480xf32, #tpu.memory_space<hbm>> -> memref<640xf32, #tpu.memory_space<hbm>>
      %dma_start3A_19 = tpu.memref_slice %arg3[%mul3A_2] : memref<20480xf32, #tpu.memory_space<hbm>> -> memref<640xf32, #tpu.memory_space<hbm>>
      tpu.enqueue_dma source(%dma_start3A_19 : memref<640xf32, #tpu.memory_space<hbm>>) target(%arg16 : memref<640xf32, #tpu.memory_space<vmem>>) target_semaphore(%run_scoped3A : memref<!tpu.dma_semaphore, #tpu.memory_space<semaphore_mem>>)
      %dma_wait3A = tpu.memref_slice %arg3[%mul3A_2] : memref<20480xf32, #tpu.memory_space<hbm>> -> memref<640xf32, #tpu.memory_space<hbm>>
      %dma_wait3A_20 = tpu.memref_slice %arg3[%mul3A_2] : memref<20480xf32, #tpu.memory_space<hbm>> -> memref<640xf32, #tpu.memory_space<hbm>>
      tpu.wait_dma2 semaphore(%run_scoped3A : memref<!tpu.dma_semaphore, #tpu.memory_space<semaphore_mem>>) src(%dma_wait3A_20 : memref<640xf32, #tpu.memory_space<hbm>>) dst(%arg16 : memref<640xf32, #tpu.memory_space<vmem>>)
      tpu.yield
    }) : () -> ()
    "tpu.region"() ({
      %run_scoped3A = tpu.sem_alloc : memref<!tpu.dma_semaphore, #tpu.memory_space<semaphore_mem>>
      %dma_start3A = tpu.memref_slice %arg4[%mul3A_2] : memref<20480xf32, #tpu.memory_space<hbm>> -> memref<640xf32, #tpu.memory_space<hbm>>
      %dma_start3A_19 = tpu.memref_slice %arg4[%mul3A_2] : memref<20480xf32, #tpu.memory_space<hbm>> -> memref<640xf32, #tpu.memory_space<hbm>>
      tpu.enqueue_dma source(%dma_start3A_19 : memref<640xf32, #tpu.memory_space<hbm>>) target(%arg17 : memref<640xf32, #tpu.memory_space<vmem>>) target_semaphore(%run_scoped3A : memref<!tpu.dma_semaphore, #tpu.memory_space<semaphore_mem>>)
      %dma_wait3A = tpu.memref_slice %arg4[%mul3A_2] : memref<20480xf32, #tpu.memory_space<hbm>> -> memref<640xf32, #tpu.memory_space<hbm>>
      %dma_wait3A_20 = tpu.memref_slice %arg4[%mul3A_2] : memref<20480xf32, #tpu.memory_space<hbm>> -> memref<640xf32, #tpu.memory_space<hbm>>
      tpu.wait_dma2 semaphore(%run_scoped3A : memref<!tpu.dma_semaphore, #tpu.memory_space<semaphore_mem>>) src(%dma_wait3A_20 : memref<640xf32, #tpu.memory_space<hbm>>) dst(%arg17 : memref<640xf32, #tpu.memory_space<vmem>>)
      tpu.yield
    }) : () -> ()
    "tpu.region"() ({
      %run_scoped3A = tpu.sem_alloc : memref<!tpu.dma_semaphore, #tpu.memory_space<semaphore_mem>>
      %dma_start3A = tpu.memref_slice %arg5[%mul3A_2] : memref<20480xf32, #tpu.memory_space<hbm>> -> memref<640xf32, #tpu.memory_space<hbm>>
      %dma_start3A_19 = tpu.memref_slice %arg5[%mul3A_2] : memref<20480xf32, #tpu.memory_space<hbm>> -> memref<640xf32, #tpu.memory_space<hbm>>
      tpu.enqueue_dma source(%dma_start3A_19 : memref<640xf32, #tpu.memory_space<hbm>>) target(%arg18 : memref<640xf32, #tpu.memory_space<vmem>>) target_semaphore(%run_scoped3A : memref<!tpu.dma_semaphore, #tpu.memory_space<semaphore_mem>>)
      %dma_wait3A = tpu.memref_slice %arg5[%mul3A_2] : memref<20480xf32, #tpu.memory_space<hbm>> -> memref<640xf32, #tpu.memory_space<hbm>>
      %dma_wait3A_20 = tpu.memref_slice %arg5[%mul3A_2] : memref<20480xf32, #tpu.memory_space<hbm>> -> memref<640xf32, #tpu.memory_space<hbm>>
      tpu.wait_dma2 semaphore(%run_scoped3A : memref<!tpu.dma_semaphore, #tpu.memory_space<semaphore_mem>>) src(%dma_wait3A_20 : memref<640xf32, #tpu.memory_space<hbm>>) dst(%arg18 : memref<640xf32, #tpu.memory_space<vmem>>)
      tpu.yield
    }) : () -> ()
    "tpu.region"() ({
      %run_scoped3A = tpu.sem_alloc : memref<!tpu.dma_semaphore, #tpu.memory_space<semaphore_mem>>
      %dma_start3A = tpu.memref_slice %arg6[%mul3A_2] : memref<20480xf32, #tpu.memory_space<hbm>> -> memref<640xf32, #tpu.memory_space<hbm>>
      %dma_start3A_19 = tpu.memref_slice %arg6[%mul3A_2] : memref<20480xf32, #tpu.memory_space<hbm>> -> memref<640xf32, #tpu.memory_space<hbm>>
      tpu.enqueue_dma source(%dma_start3A_19 : memref<640xf32, #tpu.memory_space<hbm>>) target(%arg19 : memref<640xf32, #tpu.memory_space<vmem>>) target_semaphore(%run_scoped3A : memref<!tpu.dma_semaphore, #tpu.memory_space<semaphore_mem>>)
      %dma_wait3A = tpu.memref_slice %arg6[%mul3A_2] : memref<20480xf32, #tpu.memory_space<hbm>> -> memref<640xf32, #tpu.memory_space<hbm>>
      %dma_wait3A_20 = tpu.memref_slice %arg6[%mul3A_2] : memref<20480xf32, #tpu.memory_space<hbm>> -> memref<640xf32, #tpu.memory_space<hbm>>
      tpu.wait_dma2 semaphore(%run_scoped3A : memref<!tpu.dma_semaphore, #tpu.memory_space<semaphore_mem>>) src(%dma_wait3A_20 : memref<640xf32, #tpu.memory_space<hbm>>) dst(%arg19 : memref<640xf32, #tpu.memory_space<vmem>>)
      tpu.yield
    }) : () -> ()
    "tpu.region"() ({
      %run_scoped3A = tpu.sem_alloc : memref<!tpu.dma_semaphore, #tpu.memory_space<semaphore_mem>>
      tpu.enqueue_dma source(%arg7 : memref<256xf32, #tpu.memory_space<hbm>>) target(%arg20 : memref<256xf32, #tpu.memory_space<vmem>>) target_semaphore(%run_scoped3A : memref<!tpu.dma_semaphore, #tpu.memory_space<semaphore_mem>>)
      tpu.wait_dma2 semaphore(%run_scoped3A : memref<!tpu.dma_semaphore, #tpu.memory_space<semaphore_mem>>) src(%arg7 : memref<256xf32, #tpu.memory_space<hbm>>) dst(%arg20 : memref<256xf32, #tpu.memory_space<vmem>>)
      tpu.yield
    }) : () -> ()
    "tpu.region"() ({
      %run_scoped3A = tpu.sem_alloc : memref<!tpu.dma_semaphore, #tpu.memory_space<semaphore_mem>>
      tpu.enqueue_dma source(%arg8 : memref<256xf32, #tpu.memory_space<hbm>>) target(%arg21 : memref<256xf32, #tpu.memory_space<vmem>>) target_semaphore(%run_scoped3A : memref<!tpu.dma_semaphore, #tpu.memory_space<semaphore_mem>>)
      tpu.wait_dma2 semaphore(%run_scoped3A : memref<!tpu.dma_semaphore, #tpu.memory_space<semaphore_mem>>) src(%arg8 : memref<256xf32, #tpu.memory_space<hbm>>) dst(%arg21 : memref<256xf32, #tpu.memory_space<vmem>>)
      tpu.yield
    }) : () -> ()
    "tpu.region"() ({
      %run_scoped3A = tpu.sem_alloc : memref<!tpu.dma_semaphore, #tpu.memory_space<semaphore_mem>>
      tpu.enqueue_dma source(%arg9 : memref<256xf32, #tpu.memory_space<hbm>>) target(%arg22 : memref<256xf32, #tpu.memory_space<vmem>>) target_semaphore(%run_scoped3A : memref<!tpu.dma_semaphore, #tpu.memory_space<semaphore_mem>>)
      tpu.wait_dma2 semaphore(%run_scoped3A : memref<!tpu.dma_semaphore, #tpu.memory_space<semaphore_mem>>) src(%arg9 : memref<256xf32, #tpu.memory_space<hbm>>) dst(%arg22 : memref<256xf32, #tpu.memory_space<vmem>>)
      tpu.yield
    }) : () -> ()
    "tpu.region"() ({
      %run_scoped3A = tpu.sem_alloc : memref<!tpu.dma_semaphore, #tpu.memory_space<semaphore_mem>>
      tpu.enqueue_dma source(%arg10 : memref<256xf32, #tpu.memory_space<hbm>>) target(%arg23 : memref<256xf32, #tpu.memory_space<vmem>>) target_semaphore(%run_scoped3A : memref<!tpu.dma_semaphore, #tpu.memory_space<semaphore_mem>>)
      tpu.wait_dma2 semaphore(%run_scoped3A : memref<!tpu.dma_semaphore, #tpu.memory_space<semaphore_mem>>) src(%arg10 : memref<256xf32, #tpu.memory_space<hbm>>) dst(%arg23 : memref<256xf32, #tpu.memory_space<vmem>>)
      tpu.yield
    }) : () -> ()
    "tpu.region"() ({
      %run_scoped3A = tpu.sem_alloc : memref<!tpu.dma_semaphore, #tpu.memory_space<semaphore_mem>>
      tpu.enqueue_dma source(%arg11 : memref<256xf32, #tpu.memory_space<hbm>>) target(%arg24 : memref<256xf32, #tpu.memory_space<vmem>>) target_semaphore(%run_scoped3A : memref<!tpu.dma_semaphore, #tpu.memory_space<semaphore_mem>>)
      tpu.wait_dma2 semaphore(%run_scoped3A : memref<!tpu.dma_semaphore, #tpu.memory_space<semaphore_mem>>) src(%arg11 : memref<256xf32, #tpu.memory_space<hbm>>) dst(%arg24 : memref<256xf32, #tpu.memory_space<vmem>>)
      tpu.yield
    }) : () -> ()
    %iota3A = tpu.iota {dimensions = array<i32: 0>} : vector<16xi32>
    %eq3A = arith.constant 0 : i32
    %eq3A_3 = vector.broadcast %eq3A : i32 to vector<16xi32>
    %eq3A_4 = arith.cmpi eq, %iota3A, %eq3A_3 : vector<16xi32>
    %broadcast_in_dim3A = arith.constant 1073741824 : i32
    %broadcast_in_dim3A_5 = vector.broadcast %broadcast_in_dim3A : i32 to vector<16xi32>
    %scan3A = arith.constant 0 : i32
    %scan3A_6 = arith.constant 0 : i32
    %scan3A_7 = arith.constant 40 : i32
    %scan3A_8 = arith.addi %scan3A_6, %scan3A_7 : i32
    %scan3A_9 = arith.constant 1 : i32
    %scan3A_10 = scf.for %scan3A_19 = %scan3A_6 to %scan3A_8 step %scan3A_9 iter_args(%scan3A_20 = %scan3A) -> (i32)  : i32 {
      %broadcast_in_dim3A_21 = arith.constant 0.000000e+00 : f32
      %broadcast_in_dim3A_22 = vector.broadcast %broadcast_in_dim3A_21 : f32 to vector<16xf32>
      %mul3A_23 = arith.constant 16 : i32
      %mul3A_24 = arith.muli %scan3A_19, %mul3A_23 : i32
      %swap3A = arith.index_cast %mul3A_24 : i32 to index
      %swap3A_25 = tpu.vector_load %arg25[%swap3A] {strides = array<i32>} : memref<640xf32, #tpu.memory_space<vmem>>, vector<16xf32>,
      tpu.vector_store %arg25[%swap3A], %broadcast_in_dim3A_22 {strides = array<i32>} : memref<640xf32, #tpu.memory_space<vmem>>, vector<16xf32>,
      %scan3A_26 = arith.constant 0 : i32
      scf.yield %scan3A_26 : i32
    }
    %scan3A_11 = arith.constant 40 : i32
    %scan3A_12 = arith.constant 0 : i32
    %scan3A_13 = arith.constant 0 : i32
    %scan3A_14 = arith.constant 256 : i32
    %scan3A_15 = arith.addi %scan3A_13, %scan3A_14 : i32
    %scan3A_16 = arith.constant 1 : i32
    %scan3A_17 = scf.for %scan3A_19 = %scan3A_13 to %scan3A_15 step %scan3A_16 iter_args(%scan3A_20 = %scan3A_12) -> (i32)  : i32 {
      %broadcast_in_dim3A_21 = vector.broadcast %scan3A_19 : i32 to vector<16xi32>
      %gather3A = tpu.vector_load_idx %arg20[%broadcast_in_dim3A_21] : memref<256xf32, #tpu.memory_space<vmem>>[vector<16xi32>], vector<16xf32>,
      %gather3A_22 = tpu.vector_load_idx %arg21[%broadcast_in_dim3A_21] : memref<256xf32, #tpu.memory_space<vmem>>[vector<16xi32>], vector<16xf32>,
      %gather3A_23 = tpu.vector_load_idx %arg22[%broadcast_in_dim3A_21] : memref<256xf32, #tpu.memory_space<vmem>>[vector<16xi32>], vector<16xf32>,
      %gather3A_24 = tpu.vector_load_idx %arg23[%broadcast_in_dim3A_21] : memref<256xf32, #tpu.memory_space<vmem>>[vector<16xi32>], vector<16xf32>,
      %gather3A_25 = tpu.vector_load_idx %arg24[%broadcast_in_dim3A_21] : memref<256xf32, #tpu.memory_space<vmem>>[vector<16xi32>], vector<16xf32>,
      %broadcast_in_dim3A_26 = arith.constant -1.000000e+00 : f32
      %broadcast_in_dim3A_27 = vector.broadcast %broadcast_in_dim3A_26 : f32 to vector<16xf32>
      %broadcast_in_dim3A_28 = arith.constant 0 : i32
      %broadcast_in_dim3A_29 = vector.broadcast %broadcast_in_dim3A_28 : i32 to vector<16xi32>
      %scan3A_30 = arith.constant 0 : i32
      %scan3A_31 = arith.constant 40 : i32
      %scan3A_32 = arith.addi %scan3A_30, %scan3A_31 : i32
      %scan3A_33 = arith.constant 1 : i32
      %scan3A_34:2 = scf.for %scan3A_56 = %scan3A_30 to %scan3A_32 step %scan3A_33 iter_args(%scan3A_57 = %broadcast_in_dim3A_27, %scan3A_58 = %broadcast_in_dim3A_29) -> (vector<16xf32>, vector<16xi32>)  : i32 {
        %mul3A_59 = arith.constant 16 : i32
        %mul3A_60 = arith.muli %scan3A_56, %mul3A_59 : i32
        %get3A = arith.index_cast %mul3A_60 : i32 to index
        %get3A_61 = tpu.vector_load %arg17[%get3A] {strides = array<i32>} : memref<640xf32, #tpu.memory_space<vmem>>, vector<16xf32>,
        %min3A = arith.minimumf %get3A_61, %gather3A_23 : vector<16xf32>
        %get3A_62 = arith.index_cast %mul3A_60 : i32 to index
        %get3A_63 = tpu.vector_load %arg15[%get3A_62] {strides = array<i32>} : memref<640xf32, #tpu.memory_space<vmem>>, vector<16xf32>,
        %max3A = arith.maximumf %get3A_63, %gather3A : vector<16xf32>
        %sub3A = arith.subf %min3A, %max3A : vector<16xf32>
        %get3A_64 = arith.index_cast %mul3A_60 : i32 to index
        %get3A_65 = tpu.vector_load %arg18[%get3A_64] {strides = array<i32>} : memref<640xf32, #tpu.memory_space<vmem>>, vector<16xf32>,
        %min3A_66 = arith.minimumf %get3A_65, %gather3A_24 : vector<16xf32>
        %get3A_67 = arith.index_cast %mul3A_60 : i32 to index
        %get3A_68 = tpu.vector_load %arg16[%get3A_67] {strides = array<i32>} : memref<640xf32, #tpu.memory_space<vmem>>, vector<16xf32>,
        %max3A_69 = arith.maximumf %get3A_68, %gather3A_22 : vector<16xf32>
        %sub3A_70 = arith.subf %min3A_66, %max3A_69 : vector<16xf32>
        %max3A_71 = arith.constant 0.000000e+00 : f32
        %max3A_72 = vector.broadcast %max3A_71 : f32 to vector<16xf32>
        %max3A_73 = arith.maximumf %sub3A, %max3A_72 : vector<16xf32>
        %max3A_74 = arith.constant 0.000000e+00 : f32
        %max3A_75 = vector.broadcast %max3A_74 : f32 to vector<16xf32>
        %max3A_76 = arith.maximumf %sub3A_70, %max3A_75 : vector<16xf32>
        %mul3A_77 = arith.mulf %max3A_73, %max3A_76 : vector<16xf32>
        %get3A_78 = arith.index_cast %mul3A_60 : i32 to index
        %get3A_79 = tpu.vector_load %arg19[%get3A_78] {strides = array<i32>} : memref<640xf32, #tpu.memory_space<vmem>>, vector<16xf32>,
        %add3A_80 = arith.addf %get3A_79, %gather3A_25 : vector<16xf32>
        %sub3A_81 = arith.subf %add3A_80, %mul3A_77 : vector<16xf32>
        %div3A = arith.divf %mul3A_77, %sub3A_81 : vector<16xf32>
        %get3A_82 = arith.index_cast %mul3A_60 : i32 to index
        %get3A_83 = tpu.vector_load %arg25[%get3A_82] {strides = array<i32>} : memref<640xf32, #tpu.memory_space<vmem>>, vector<16xf32>,
        %max3A_84 = arith.maximumf %get3A_83, %div3A : vector<16xf32>
        %swap3A = arith.index_cast %mul3A_60 : i32 to index
        %swap3A_85 = tpu.vector_load %arg25[%swap3A] {strides = array<i32>} : memref<640xf32, #tpu.memory_space<vmem>>, vector<16xf32>,
        tpu.vector_store %arg25[%swap3A], %max3A_84 {strides = array<i32>} : memref<640xf32, #tpu.memory_space<vmem>>, vector<16xf32>,
        %gt3A = arith.cmpf ogt, %div3A, %scan3A_57 : vector<16xf32>
        %max3A_86 = arith.maximumf %scan3A_57, %div3A : vector<16xf32>
        %broadcast_in_dim3A_87 = vector.broadcast %scan3A_56 : i32 to vector<16xi32>
        %select_n3A_88 = arith.select %gt3A, %broadcast_in_dim3A_87, %scan3A_58 : vector<16xi1>, vector<16xi32>
        scf.yield %max3A_86, %select_n3A_88 : vector<16xf32>, vector<16xi32>
      }
      %scan3A_35 = arith.constant 40 : i32
      %reduce_max3A = arith.constant true
      %reduce_max3A_36 = vector.broadcast %reduce_max3A : i1 to vector<16xi1>
      %reduce_max3A_37 = tpu.scan <max>, %scan3A_34#0 masked %reduce_max3A_36 : vector<16xf32>, vector<16xi1> -> vector<16xf32>
      %reduce_max3A_38 = vector.extract %reduce_max3A_37[15] : f32 from vector<16xf32>
      %eq3A_39 = vector.broadcast %reduce_max3A_38 : f32 to vector<16xf32>
      %eq3A_40 = arith.cmpf oeq, %scan3A_34#0, %eq3A_39 : vector<16xf32>
      %mul3A_41 = arith.constant 16 : i32
      %mul3A_42 = vector.broadcast %mul3A_41 : i32 to vector<16xi32>
      %mul3A_43 = arith.muli %scan3A_34#1, %mul3A_42 : vector<16xi32>
      %add3A_44 = arith.addi %mul3A_43, %iota3A : vector<16xi32>
      %select_n3A = arith.select %eq3A_40, %add3A_44, %broadcast_in_dim3A_5 : vector<16xi1>, vector<16xi32>
      %reduce_min3A = arith.constant true
      %reduce_min3A_45 = vector.broadcast %reduce_min3A : i1 to vector<16xi1>
      %reduce_min3A_46 = arith.constant -2147483648 : i32
      %reduce_min3A_47 = vector.broadcast %reduce_min3A_46 : i32 to vector<16xi32>
      %reduce_min3A_48 = arith.xori %select_n3A, %reduce_min3A_47 : vector<16xi32>
      %reduce_min3A_49 = tpu.scan <min>, %reduce_min3A_48 masked %reduce_min3A_45 : vector<16xi32>, vector<16xi1> -> vector<16xi32>
      %reduce_min3A_50 = arith.xori %reduce_min3A_49, %reduce_min3A_47 : vector<16xi32>
      %reduce_min3A_51 = vector.extract %reduce_min3A_50[15] : i32 from vector<16xi32>
      %add3A_52 = arith.addi %reduce_min3A_51, %mul3A_2 : i32
      %broadcast_in_dim3A_53 = vector.broadcast %reduce_max3A_38 : f32 to vector<16xf32>
      tpu.vector_store_idx %arg26[%broadcast_in_dim3A_21], %broadcast_in_dim3A_53 masked %eq3A_4 : memref<256xf32, #tpu.memory_space<vmem>>[vector<16xi32>], vector<16xf32>, vector<16xi1>
      %broadcast_in_dim3A_54 = vector.broadcast %add3A_52 : i32 to vector<16xi32>
      tpu.vector_store_idx %arg27[%broadcast_in_dim3A_21], %broadcast_in_dim3A_54 masked %eq3A_4 : memref<256xi32, #tpu.memory_space<vmem>>[vector<16xi32>], vector<16xi32>, vector<16xi1>
      %scan3A_55 = arith.constant 0 : i32
      scf.yield %scan3A_55 : i32
    }
    %scan3A_18 = arith.constant 256 : i32
    "tpu.region"() ({
      %run_scoped3A = tpu.sem_alloc : memref<!tpu.dma_semaphore, #tpu.memory_space<semaphore_mem>>
      %dma_start3A = arith.constant 0 : i32
      %dma_start3A_19 = tpu.memref_slice %arg12[%add3A, %dma_start3A] : memref<32x256xf32, #tpu.memory_space<hbm>> -> memref<1x256xf32, #tpu.memory_space<hbm>>
      %dma_start3A_20 = tpu.memref_squeeze %dma_start3A_19 : memref<1x256xf32, #tpu.memory_space<hbm>> -> memref<256xf32, #tpu.memory_space<hbm>>
      %dma_start3A_21 = arith.constant 0 : i32
      %dma_start3A_22 = tpu.memref_slice %arg12[%add3A, %dma_start3A_21] : memref<32x256xf32, #tpu.memory_space<hbm>> -> memref<1x256xf32, #tpu.memory_space<hbm>>
      %dma_start3A_23 = tpu.memref_squeeze %dma_start3A_22 : memref<1x256xf32, #tpu.memory_space<hbm>> -> memref<256xf32, #tpu.memory_space<hbm>>
      tpu.enqueue_dma source(%arg26 : memref<256xf32, #tpu.memory_space<vmem>>) target(%dma_start3A_23 : memref<256xf32, #tpu.memory_space<hbm>>) target_semaphore(%run_scoped3A : memref<!tpu.dma_semaphore, #tpu.memory_space<semaphore_mem>>)
      %dma_wait3A = arith.constant 0 : i32
      %dma_wait3A_24 = tpu.memref_slice %arg12[%add3A, %dma_wait3A] : memref<32x256xf32, #tpu.memory_space<hbm>> -> memref<1x256xf32, #tpu.memory_space<hbm>>
      %dma_wait3A_25 = tpu.memref_squeeze %dma_wait3A_24 : memref<1x256xf32, #tpu.memory_space<hbm>> -> memref<256xf32, #tpu.memory_space<hbm>>
      %dma_wait3A_26 = arith.constant 0 : i32
      %dma_wait3A_27 = tpu.memref_slice %arg12[%add3A, %dma_wait3A_26] : memref<32x256xf32, #tpu.memory_space<hbm>> -> memref<1x256xf32, #tpu.memory_space<hbm>>
      %dma_wait3A_28 = tpu.memref_squeeze %dma_wait3A_27 : memref<1x256xf32, #tpu.memory_space<hbm>> -> memref<256xf32, #tpu.memory_space<hbm>>
      tpu.wait_dma2 semaphore(%run_scoped3A : memref<!tpu.dma_semaphore, #tpu.memory_space<semaphore_mem>>) src(%arg26 : memref<256xf32, #tpu.memory_space<vmem>>) dst(%dma_wait3A_28 : memref<256xf32, #tpu.memory_space<hbm>>)
      tpu.yield
    }) : () -> ()
    "tpu.region"() ({
      %run_scoped3A = tpu.sem_alloc : memref<!tpu.dma_semaphore, #tpu.memory_space<semaphore_mem>>
      %dma_start3A = arith.constant 0 : i32
      %dma_start3A_19 = tpu.memref_slice %arg13[%add3A, %dma_start3A] : memref<32x256xi32, #tpu.memory_space<hbm>> -> memref<1x256xi32, #tpu.memory_space<hbm>>
      %dma_start3A_20 = tpu.memref_squeeze %dma_start3A_19 : memref<1x256xi32, #tpu.memory_space<hbm>> -> memref<256xi32, #tpu.memory_space<hbm>>
      %dma_start3A_21 = arith.constant 0 : i32
      %dma_start3A_22 = tpu.memref_slice %arg13[%add3A, %dma_start3A_21] : memref<32x256xi32, #tpu.memory_space<hbm>> -> memref<1x256xi32, #tpu.memory_space<hbm>>
      %dma_start3A_23 = tpu.memref_squeeze %dma_start3A_22 : memref<1x256xi32, #tpu.memory_space<hbm>> -> memref<256xi32, #tpu.memory_space<hbm>>
      tpu.enqueue_dma source(%arg27 : memref<256xi32, #tpu.memory_space<vmem>>) target(%dma_start3A_23 : memref<256xi32, #tpu.memory_space<hbm>>) target_semaphore(%run_scoped3A : memref<!tpu.dma_semaphore, #tpu.memory_space<semaphore_mem>>)
      %dma_wait3A = arith.constant 0 : i32
      %dma_wait3A_24 = tpu.memref_slice %arg13[%add3A, %dma_wait3A] : memref<32x256xi32, #tpu.memory_space<hbm>> -> memref<1x256xi32, #tpu.memory_space<hbm>>
      %dma_wait3A_25 = tpu.memref_squeeze %dma_wait3A_24 : memref<1x256xi32, #tpu.memory_space<hbm>> -> memref<256xi32, #tpu.memory_space<hbm>>
      %dma_wait3A_26 = arith.constant 0 : i32
      %dma_wait3A_27 = tpu.memref_slice %arg13[%add3A, %dma_wait3A_26] : memref<32x256xi32, #tpu.memory_space<hbm>> -> memref<1x256xi32, #tpu.memory_space<hbm>>
      %dma_wait3A_28 = tpu.memref_squeeze %dma_wait3A_27 : memref<1x256xi32, #tpu.memory_space<hbm>> -> memref<256xi32, #tpu.memory_space<hbm>>
      tpu.wait_dma2 semaphore(%run_scoped3A : memref<!tpu.dma_semaphore, #tpu.memory_space<semaphore_mem>>) src(%arg27 : memref<256xi32, #tpu.memory_space<vmem>>) dst(%dma_wait3A_28 : memref<256xi32, #tpu.memory_space<hbm>>)
      tpu.yield
    }) : () -> ()
    "tpu.region"() ({
      %run_scoped3A = tpu.sem_alloc : memref<!tpu.dma_semaphore, #tpu.memory_space<semaphore_mem>>
      %dma_start3A = arith.constant 0 : i32
      %dma_start3A_19 = tpu.memref_slice %arg14[%add3A, %dma_start3A] : memref<32x640xf32, #tpu.memory_space<hbm>> -> memref<1x640xf32, #tpu.memory_space<hbm>>
      %dma_start3A_20 = tpu.memref_squeeze %dma_start3A_19 : memref<1x640xf32, #tpu.memory_space<hbm>> -> memref<640xf32, #tpu.memory_space<hbm>>
      %dma_start3A_21 = arith.constant 0 : i32
      %dma_start3A_22 = tpu.memref_slice %arg14[%add3A, %dma_start3A_21] : memref<32x640xf32, #tpu.memory_space<hbm>> -> memref<1x640xf32, #tpu.memory_space<hbm>>
      %dma_start3A_23 = tpu.memref_squeeze %dma_start3A_22 : memref<1x640xf32, #tpu.memory_space<hbm>> -> memref<640xf32, #tpu.memory_space<hbm>>
      tpu.enqueue_dma source(%arg25 : memref<640xf32, #tpu.memory_space<vmem>>) target(%dma_start3A_23 : memref<640xf32, #tpu.memory_space<hbm>>) target_semaphore(%run_scoped3A : memref<!tpu.dma_semaphore, #tpu.memory_space<semaphore_mem>>)
      %dma_wait3A = arith.constant 0 : i32
      %dma_wait3A_24 = tpu.memref_slice %arg14[%add3A, %dma_wait3A] : memref<32x640xf32, #tpu.memory_space<hbm>> -> memref<1x640xf32, #tpu.memory_space<hbm>>
      %dma_wait3A_25 = tpu.memref_squeeze %dma_wait3A_24 : memref<1x640xf32, #tpu.memory_space<hbm>> -> memref<640xf32, #tpu.memory_space<hbm>>
      %dma_wait3A_26 = arith.constant 0 : i32
      %dma_wait3A_27 = tpu.memref_slice %arg14[%add3A, %dma_wait3A_26] : memref<32x640xf32, #tpu.memory_space<hbm>> -> memref<1x640xf32, #tpu.memory_space<hbm>>
      %dma_wait3A_28 = tpu.memref_squeeze %dma_wait3A_27 : memref<1x640xf32, #tpu.memory_space<hbm>> -> memref<640xf32, #tpu.memory_space<hbm>>
      tpu.wait_dma2 semaphore(%run_scoped3A : memref<!tpu.dma_semaphore, #tpu.memory_space<semaphore_mem>>) src(%arg25 : memref<640xf32, #tpu.memory_space<vmem>>) dst(%dma_wait3A_28 : memref<640xf32, #tpu.memory_space<hbm>>)
      tpu.yield
    }) : () -> ()
    return
  }
}

</mosaic_0001>

<sc_bundles>
// kernel: kernel.3.cloned.1.call-start
scs
__scs_entry_jumppad:
0x0: {  	(pc) =	sbr.rel $0x88, $3  }
0x1: {  	(tag) =	ssettag $0x0;
	lr =	simm.s32 $0x1  }
0x2: {  	[smem:$0x3F9E] =	sst lr;
	_ =	strace $0xD0000000  }
0x3: {  	_ = 	snop  }
0x4: {  	_ = 	snop  }
0x5: {  	_ = 	snop  }
0x6: {  	_ = 	snop  }
0x7: {  	_ = 	snop  }
__scs_overlays_trampoline_lowered:
0x8: {  	[smem:$0x3FAD] =	sst s0  }
0x9: {  	[smem:$0x3FAE] =	sst s1  }
0xa: {  	[smem:$0x3FAF] =	sst s2  }
0xb: {  	[smem:$0x3FB0] =	sst s3  }
0xc: {  	[smem:$0x3FB1] =	sst s4  }
0xd: {  	[smem:$0x3FB2] =	sst s5  }
0xe: {  	[smem:$0x3FB3] =	sst s6  }
0xf: {  	[smem:$0x3FB4] =	sst s7  }
0x10: {  	[smem:$0x3FB5] =	sst s8  }
0x11: {  	[smem:$0x3FB6] =	sst s9;
	s0 =	simm.s32 @!p0 $0x0  }
0x12: {  	s1 =	sld [smem:$0x3F9C];
	s0 =	simm.s32 @p0 $0x1  }
0x13: {  	[smem:$0x3FB7] =	sst s0;
	s0 =	simm.s32 @!p1 $0x0  }
0x14: {  	s2 =	sld [smem:$0x3F9B];
	s0 =	simm.s32 @p1 $0x1  }
0x15: {  	[smem:$0x3FB8] =	sst s0;
	s0 =	simm.s32 @!p2 $0x0  }
0x16: {  	s3 =	sld [smem:$0x3FDB];
	s0 =	simm.s32 @p2 $0x1  }
0x17: {  	s4 =	simm.s32 $0x1BF5;
	[smem:$0x3FBA] =	sst s0  }
0x18: {  	s0 =	sld [smem:$0x3F9D];
	_ =	swait.ge [sflag:s4], $0x0  }
0x19: {  	s7 =	sld [smem:$0x3F9E]  }
0x1a: {  	s8 =	sadd.s32 $0xFFFFE003, lr  }
0x1b: {  	s9 =	sadd.s32 $0xFFFFFEF7, lr;
	s5 =	simm.s32 $0xFFFFFFFF;
	p2 =	slt.u32 s8, $0xFFFFF086  }
0x1c: {  	p1 =	slt.u32 s9, $0xF7A;
	s5 =	simm.s32 @!p2 $0x0  }
0x1d: {  	s5 =	simm.s32 @p1 $0x1;
	p0 =	seq.s32 s7, s2  }
0x1e: {  	s7 =	smul.u32 @!p0 $0xF7A, s2;
	p2 =	seq.s32 @!p0 s5, $0x0  }
0x1f: {  	s9 =	smul.u32 $0xF7A, s1;
	s8 =	simm.s32 @!p0 $0x1BF5;
	p2 =	por !p2, p0  }
0x20: {  	[sflag:s8] =	ssyncset.s32 @!p0 $0xFFFFF086;
	s6 =	sadd.s32 @!p0 s3, s7;
	s7 =	simm.s32 @!p0 $0x108  }
0x21: {  	s3 =	sadd.s32 s3, s9;
	s6 =	sadd.s32 @!p0 $0x88, s6;
	s7 =	simm.s32 @p2 $0x1082  }
0x22: {  	[simem:s7], [sflag:s8] =	dma.local @!p0 [hbm:s6], $0xF7A  }
0x23: {  	s9 =	sor.u32 $0xD0000000, s2;
	s6 =	simm.s32 $0x108;
	_ =	swait.ge @!p0 [sflag:s8], $0x0  }
0x24: {  	s3 =	sadd.s32 $0x88, s3;
	s6 =	simm.s32 @!p1 $0x1082;
	[sflag:s4] =	ssyncset.s32 $0xFFFFF086  }
0x25: {  	[simem:s6], [sflag:s4] =	dma.local [hbm:s3], $0xF7A  }
0x26: {  	[smem:$0x3F9E] =	sst s1;
	(tag) =	ssettag s2;
	_ =	strace s9  }
0x27: {  	s1 =	sld [smem:$0x3FAE]  }
0x28: {  	s2 =	sld [smem:$0x3FAF]  }
0x29: {  	s4 =	sld [smem:$0x3FB1]  }
0x2a: {  	p0 =	seq.s32 s5, $0x0;
	s5 =	sld [smem:$0x3FB2]  }
0x2b: {  	s6 =	sld [smem:$0x3FB3]  }
0x2c: {  	s7 =	sld [smem:$0x3FB4]  }
0x2d: {  	s3 =	simm.s32 $0x108;
	s8 =	sld [smem:$0x3FB5]  }
0x2e: {  	s3 =	simm.s32 @!p0 $0x1082;
	s9 =	sld [smem:$0x3FB6]  }
0x2f: {  	lr =	sadd.s32 s0, s3;
	s0 =	sld [smem:$0x3FAD]  }
0x30: {  	s3 =	sld [smem:$0x3FB0]  }
0x31: {  	[smem:$0x3FB9] =	sst s10  }
0x32: {  	s10 =	sld [smem:$0x3FB7];
	_ =	sdelay $0x3  }
0x33: {  	p0 =	seq.s32 s10, $0x1;
	s10 =	sld [smem:$0x3FB9];
	_ =	sdelay $0x3  }
0x34: {  	[smem:$0x3FB9] =	sst s10  }
0x35: {  	s10 =	sld [smem:$0x3FB8];
	_ =	sdelay $0x3  }
0x36: {  	p1 =	seq.s32 s10, $0x1;
	s10 =	sld [smem:$0x3FB9];
	_ =	sdelay $0x3  }
0x37: {  	[smem:$0x3FB9] =	sst s10  }
0x38: {  	s10 =	sld [smem:$0x3FBA]  }
0x39: {  	_ = 	snop;
	(pc) =	sbr.ind lr, $3  }
0x3a: {  	_ = 	snop  }
0x3b: {  	_ = 	snop  }
0x3c: {  	p2 =	seq.s32 s10, $0x1;
	s10 =	sld [smem:$0x3FB9]  }
0x3d: {  	_ =	shalt  }
0x3e: {  	_ =	shalt  }
0x3f: {  	_ =	shalt  }
0x40: {  	_ =	shalt  }
0x41: {  	_ =	shalt  }
0x42: {  	_ =	shalt  }
0x43: {  	_ =	shalt  }
0x44: {  	_ =	shalt  }
0x45: {  	_ =	shalt  }
0x46: {  	_ =	shalt  }
0x47: {  	_ =	shalt  }
0x48: {  	_ =	shalt  }
0x49: {  	_ =	shalt  }
0x4a: {  	_ =	shalt  }
0x4b: {  	_ =	shalt  }
0x4c: {  	_ =	shalt  }
0x4d: {  	_ =	shalt  }
0x4e: {  	_ =	shalt  }
0x4f: {  	_ =	shalt  }
0x50: {  	_ =	shalt  }
0x51: {  	_ =	shalt  }
0x52: {  	_ =	shalt  }
0x53: {  	_ =	shalt  }
0x54: {  	_ =	shalt  }
0x55: {  	_ =	shalt  }
0x56: {  	_ =	shalt  }
0x57: {  	_ =	shalt  }
0x58: {  	_ =	shalt  }
0x59: {  	_ =	shalt  }
0x5a: {  	_ =	shalt  }
0x5b: {  	_ =	shalt  }
0x5c: {  	_ =	shalt  }
0x5d: {  	_ =	shalt  }
0x5e: {  	_ =	shalt  }
0x5f: {  	_ =	shalt  }
0x60: {  	_ =	shalt  }
0x61: {  	_ =	shalt  }
0x62: {  	_ =	shalt  }
0x63: {  	_ =	shalt  }
0x64: {  	_ =	shalt  }
0x65: {  	_ =	shalt  }
0x66: {  	_ =	shalt  }
0x67: {  	_ =	shalt  }
0x68: {  	_ =	shalt  }
0x69: {  	_ =	shalt  }
0x6a: {  	_ =	shalt  }
0x6b: {  	_ =	shalt  }
0x6c: {  	_ =	shalt  }
0x6d: {  	_ =	shalt  }
0x6e: {  	_ =	shalt  }
0x6f: {  	_ =	shalt  }
0x70: {  	_ =	shalt  }
0x71: {  	_ =	shalt  }
0x72: {  	_ =	shalt  }
0x73: {  	_ =	shalt  }
0x74: {  	_ =	shalt  }
0x75: {  	_ =	shalt  }
0x76: {  	_ =	shalt  }
0x77: {  	_ =	shalt  }
0x78: {  	_ =	shalt  }
0x79: {  	_ =	shalt  }
0x7a: {  	_ =	shalt  }
0x7b: {  	_ =	shalt  }
0x7c: {  	_ =	shalt  }
0x7d: {  	_ =	shalt  }
0x7e: {  	_ =	shalt  }
0x7f: {  	_ =	shalt  }
0x80: {  	_ =	shalt  }
0x81: {  	_ =	shalt  }
0x82: {  	_ =	shalt  }
0x83: {  	_ =	shalt  }
0x84: {  	_ =	shalt  }
0x85: {  	_ =	shalt  }
0x86: {  	_ =	shalt  }
0x87: {  	_ =	shalt  }
.Lfunc_end0:
.L_simem_size_0:
called_computation_lowered:
.L_overlay_start_0:
0x88: {  	s2 =	sld [smem:$0x3FD9]  }
0x89: {  	s3 =	sld [smem:$0x3FFE];
	_ =	sdelay $0x1  }
0x8a: {  	s1 =	srdreg.scid  }
0x8b: {  	s0 =	sand.u32 $0x1, s1  }
0x8c: {  	s16 =	sshll.u32 s0, $0xA;
	s2 =	sadd.s32 s3, s2  }
0x8d: {  	s2 =	sadd.s32 s2, s16  }
0x8e: {  	[smem:$0x3FC5] =	sst s2  }
0x8f: {  	_ = 	snop  }
0x90: {  	(tm) =	ssettm $0x1  }
0x91: {  	s17 =	sld [smem:$0x3FFB];
	_ =	sdelay $0x3  }
0x92: {  	_ =	strace s17  }
0x93: {  	s2 =	sld [smem:$0x3FFC];
	_ =	sdelay $0x3  }
0x94: {  	_ =	strace s2  }
0x95: {  	s2 =	sld [smem:$0x3FFD];
	_ =	sdelay $0x3  }
0x96: {  	_ =	strace s2  }
0x97: {  	_ =	strace $0x8FFFFFFF  }
0x98: {  	s18 =	sld [smem:$0x3FDB];
	_ =	sdelay $0x1  }
0x99: {  	s19 =	simm.s32 $_scs_section_size  }
0x9a: {  	s4 =	simm.s32 $_size__tile_overlayer_lowered;
	s5 =	simm.s32 $_tile_overlayer_lowered  }
0x9b: {  	s22 =	simm.s32 $0x1BFF;
	s21 =	sshll.u32 s5, $0x1;
	s2 =	sadd.s32 s19, s18  }
0x9c: {  	s6 =	simm.s32 $0x0;
	s20 =	sshll.u32 s4, $0x1;
	s4 =	sadd.s32 s21, s2  }
0x9d: {  	[timem:s6], [sflag:s22] =	dma.local [hbm:s4], s20  }
0x9e: {  	_ =	swait.ge [sflag:s22], s20  }
0x9f: {  	s3 =	ssub.s32 $0x0, s20;
	[sflag:s22] =	ssyncset.done $0x0  }
0xa0: {  	[sflag:s22] =	ssyncadd.s32 s3;
	_ =	sdelay $0x1  }
0xa1: {  	s23 =	simm.s32 $0x1B8B  }
0xa2: {  	_ =	swait.ge [sflag:s23], $0x1  }
0xa3: {  	[sflag:s23] =	ssyncset.done $0x0  }
0xa4: {  	s25 =	simm.s32 $0x1B8E;
	s24 =	sld [smem:$0x3FFE];
	[sflag:s23] =	ssyncadd.s32 $0xFFFFFFFF  }
0xa5: {  	s26 =	simm.s32 $execute0_lowered;
	[smem:$0x3FD2] =	sst s25  }
0xa6: {  	s4 =	sshll.u32 s26, $0x1;
	_ =	strace $0x80000046;
	[dreg:$0x1] =	wrdreg $0xFFFFFFFF  }
0xa7: {  	s28 =	simm.s32 $_size_execute0_lowered;
	s2 =	sadd.s32 s2, s4;
	[dreg:$0x0] =	wrdreg $0x0  }
0xa8: {  	s4 =	sshll.u32 s28, $0x1;
	[dreg:$0x2] =	wrdreg s2  }
0xa9: {  	[dreg:$0x3] =	wrdreg s4  }
0xaa: {  	[dreg:$0x4] =	wrdreg $0xC0  }
0xab: {  	_ =	task [dreg:s6], $0x5FFFF  }
0xac: {  	[dreg:$0x1] =	wrdreg $0xFFFFFFFF  }
0xad: {  	[dreg:$0x0] =	wrdreg $0x60  }
0xae: {  	[dreg:$0x2] =	wrdreg s24  }
0xaf: {  	[dreg:$0x3] =	wrdreg $0x9  }
0xb0: {  	_ =	task.clear_ibuf [dreg:s6], $0x4FFFF;
	_ =	strace $0x90000046  }
0xb1: {  	s29 =	simm.s32 $0x9;
	_ =	strace $0x80000048  }
0xb2: {  	_ =	swait.ge [sflag:s29], $0x1  }
0xb3: {  	[sflag:s29] =	ssyncadd.s32 $0xFFFFFFFF  }
0xb4: {  	_ =	strace $0x90000048  }
0xb5: {  	_ =	sfence  }
0xb6: {  	s30 =	sld [smem:$0x0];
	_ =	sdelay $0x2  }
0xb7: {  	s31 =	sshll.u32 s1, $0xD;
	s1 =	sshrl.u32 s1, $0x2  }
0xb8: {  	s3 =	sand.u32 $0x4000, s31;
	s1 =	sadd.s32 s1, s30  }
0xb9: {  	s0 =	sor.u32 s3, s0;
	s1 =	sshll.u32 s1, $0x11  }
0xba: {  	s0 =	sor.u32 s1, s0  }
0xbb: {  	s0 =	sadd.s32 $0x8F2B, s0  }
0xbc: {  	[sflag:s0] =	ssyncadd.remote.s32 $0x1  }
0xbd: {  	_ =	sfence.sel $0xFFFF  }
0xbe: {  	[dreg:$0x0] =	wrdreg $0xFFFFFFFF;
	(pc) =	sbr.abs _section_cstart, $3  }
0xbf: {  	[dreg:$0x1] =	wrdreg $0xFFFFFFFF  }
0xc0: {  	_ =	task.clear_ibuf [dreg:s6], $0x2FFFF;
	_ =	strace $0x9FFFFFFF  }
0xc1: {  	(tm) =	ssettm $0x7FFFFFFF  }
tec
execute0_lowered:
.L_overlay_start_1:
0x0: {  	(tag) =	ssettag $0x1  }
0x1: {  	s0 =	srdreg.scid;
	s6 =	stileid.u32  }
0x2: {  	s4 =	rddreg [dreg:$0x0];
	s2 =	simm.s32 $0x0;
	s18 =	simm.s32 $0x1  }
0x3: {  	s28 =	simm.s32 $0x1080;
	s29 =	simm.s32 $0x1400;
	s30 =	simm.s32 $0x1500  }
0x4: {  	s31 =	simm.s32 $0x80;
	s19 =	simm.s32 $0x0;
	s0 =	sand.u32 $0x1, s0  }
0x5: {  	s1 =	sshll.u32 s6, $0x1;
	[smem:$0x7FF] =	sst s2;
	s7 =	sadd.s32 $0x4000, s4  }
0x6: {  	s21 =	sadd.s32 $0x3E00, s4;
	_ =	strace $0x80000047;
	[dreg:$0x2] =	wrdreg s7  }
0x7: {  	s22 =	sadd.s32 $0x3C00, s4;
	s6 =	sshrl.u32 s6, $0x2;
	[dreg:$0x3] =	wrdreg s21  }
0x8: {  	s8 =	sadd.s32 $0x3A00, s4;
	s24 =	sadd.s32 $0x4200, s4;
	[dreg:$0x4] =	wrdreg s22  }
0x9: {  	s1 =	sor.u32 s0, s1;
	s23 =	sshll.u32 s6, $0xB;
	[dreg:$0x5] =	wrdreg s8  }
0xa: {  	s6 =	smul.u32 $0x1400, s6;
	[dreg:$0x6] =	wrdreg s24;
	s0 =	ssub.s32 $0x2, s0  }
0xb: {  	s3 =	smul.u32 $0x280, s1;
	s1 =	sshll.u32 s1, $0x7;
	s26 =	sshrl.u32 s0, $0x1  }
0xc: {  	s24 =	simm.s32 $0xD80;
	s1 =	sand.u32 $0x380, s1;
	s0 =	ssub.s32 s0, s26  }
0xd: {  	s26 =	simm.s32 $0xF80;
	s5 =	sshrl.u32 s3, $0x3;
	s7 =	sor.u32 s23, s1  }
0xe: {  	s1 =	sor.u32 s6, s1;
	s17 =	smax.u32 s0, $0x1;
	s23 =	simm.s32 $0xC80  }
0xf: {  	s5 =	sadd.s32 s5, s4;
	s7 =	sshrl.u32 s7, $0x3;
	s1 =	sshrl.u32 s1, $0x3  }
0x10: {  	s25 =	sadd.s32 s7, s4;
	s1 =	sadd.s32 s1, s4;
	s9 =	sadd.s32 $0x1200, s5  }
0x11: {  	s10 =	sadd.s32 $0x2600, s5;
	s11 =	sadd.s32 $0x3000, s5;
	s12 =	sadd.s32 $0x1C00, s5  }
0x12: {  	v1 =	vlaneseq.u32;
	s13 =	sadd.s32 $0x800, s5;
	s14 =	sadd.s32 $0x4800, s25;
	s15 =	sadd.s32 $0x4400, s25  }
0x13: {  	v0 =	vimm.f32 $0.0e+00;
	v1 =	vor.u32 $0x80000000, v1;
	s16 =	sadd.s32 $0x4C00, s1;
	s25 =	simm.s32 $0xE80;
	s1 =	simm.s32 $0x400  }
.LBB2_1:
0x14: {  	[tilespmem:s2], [sflag:$0x1] =	stream.linear.gather [hbm4b:s9+s2], $0x280, $0x38;
	[tilespmem:$0x1600] =	vst v63  }
0x15: {  	_ =	swait.ge [sflag:s18], $0x280  }
0x16: {  	[sflag:s18] =	ssyncset.done $0x0  }
0x17: {  	s0 =	simm.s32 $0x280;
	[sflag:s18] =	ssyncadd.s32 $0xFFFFFD80  }
0x18: {  	[tilespmem:s0], [sflag:$0x1] =	stream.linear.gather [hbm4b:s10+s2], $0x280, $0x38;
	[tilespmem:$0x1600] =	vst v63  }
0x19: {  	_ =	swait.ge [sflag:s18], $0x280  }
0x1a: {  	[sflag:s18] =	ssyncset.done $0x0  }
0x1b: {  	s4 =	simm.s32 $0x500;
	[sflag:s18] =	ssyncadd.s32 $0xFFFFFD80  }
0x1c: {  	[tilespmem:s4], [sflag:$0x1] =	stream.linear.gather [hbm4b:s11+s2], $0x280, $0x38;
	[tilespmem:$0x1600] =	vst v63  }
0x1d: {  	_ =	swait.ge [sflag:s18], $0x280  }
0x1e: {  	[sflag:s18] =	ssyncset.done $0x0  }
0x1f: {  	s5 =	simm.s32 $0x780;
	[sflag:s18] =	ssyncadd.s32 $0xFFFFFD80  }
0x20: {  	[tilespmem:s5], [sflag:$0x1] =	stream.linear.gather [hbm4b:s12+s2], $0x280, $0x38;
	[tilespmem:$0x1600] =	vst v63  }
0x21: {  	_ =	swait.ge [sflag:s18], $0x280  }
0x22: {  	[sflag:s18] =	ssyncset.done $0x0  }
0x23: {  	s6 =	simm.s32 $0xA00;
	[sflag:s18] =	ssyncadd.s32 $0xFFFFFD80  }
0x24: {  	[tilespmem:s6], [sflag:$0x1] =	stream.linear.gather [hbm4b:s13+s2], $0x280, $0x38;
	[tilespmem:$0x1600] =	vst v63  }
0x25: {  	_ =	swait.ge [sflag:s18], $0x280  }
0x26: {  	[sflag:s18] =	ssyncset.done $0x0  }
0x27: {  	s7 =	rddreg [dreg:$0x2];
	[sflag:s18] =	ssyncadd.s32 $0xFFFFFD80  }
0x28: {  	[tilespmem:s23], [sflag:$0x1] =	stream.linear.gather [hbm4b:s7+s2], $0x100, $0x38;
	[tilespmem:$0x1600] =	vst v63  }
0x29: {  	_ =	swait.ge [sflag:s18], $0x100  }
0x2a: {  	[sflag:s18] =	ssyncset.done $0x0  }
0x2b: {  	s8 =	rddreg [dreg:$0x3];
	[sflag:s18] =	ssyncadd.s32 $0xFFFFFF00  }
0x2c: {  	[tilespmem:s24], [sflag:$0x1] =	stream.linear.gather [hbm4b:s8+s2], $0x100, $0x38;
	[tilespmem:$0x1600] =	vst v63  }
0x2d: {  	_ =	swait.ge [sflag:s18], $0x100  }
0x2e: {  	[sflag:s18] =	ssyncset.done $0x0  }
0x2f: {  	s20 =	rddreg [dreg:$0x4];
	[sflag:s18] =	ssyncadd.s32 $0xFFFFFF00  }
0x30: {  	[tilespmem:s25], [sflag:$0x1] =	stream.linear.gather [hbm4b:s20+s2], $0x100, $0x38;
	[tilespmem:$0x1600] =	vst v63  }
0x31: {  	_ =	swait.ge [sflag:s18], $0x100  }
0x32: {  	[sflag:s18] =	ssyncset.done $0x0  }
0x33: {  	s21 =	rddreg [dreg:$0x5];
	[sflag:s18] =	ssyncadd.s32 $0xFFFFFF00  }
0x34: {  	[tilespmem:s26], [sflag:$0x1] =	stream.linear.gather [hbm4b:s21+s2], $0x100, $0x38;
	[tilespmem:$0x1600] =	vst v63  }
0x35: {  	_ =	swait.ge [sflag:s18], $0x100  }
0x36: {  	[sflag:s18] =	ssyncset.done $0x0  }
0x37: {  	s22 =	rddreg [dreg:$0x6];
	[sflag:s18] =	ssyncadd.s32 $0xFFFFFF00  }
0x38: {  	[tilespmem:s28], [sflag:$0x1] =	stream.linear.gather [hbm4b:s22+s2], $0x100, $0x38;
	[tilespmem:$0x1600] =	vst v63  }
0x39: {  	_ =	swait.ge [sflag:s18], $0x100  }
0x3a: {  	[sflag:s18] =	ssyncset.done $0x0  }
0x3b: {  	[sflag:s18] =	ssyncadd.s32 $0xFFFFFF00  }
0x3c: {  	[tilespmem:$0x1180] =	vst v0  }
0x3d: {  	[tilespmem:$0x1190] =	vst v0  }
0x3e: {  	[tilespmem:$0x11A0] =	vst v0  }
0x3f: {  	[tilespmem:$0x11B0] =	vst v0  }
0x40: {  	[tilespmem:$0x11C0] =	vst v0  }
0x41: {  	[tilespmem:$0x11D0] =	vst v0  }
0x42: {  	[tilespmem:$0x11E0] =	vst v0  }
0x43: {  	[tilespmem:$0x11F0] =	vst v0  }
0x44: {  	[tilespmem:$0x1200] =	vst v0  }
0x45: {  	[tilespmem:$0x1210] =	vst v0  }
0x46: {  	[tilespmem:$0x1220] =	vst v0  }
0x47: {  	[tilespmem:$0x1230] =	vst v0  }
0x48: {  	[tilespmem:$0x1240] =	vst v0  }
0x49: {  	[tilespmem:$0x1250] =	vst v0  }
0x4a: {  	[tilespmem:$0x1260] =	vst v0  }
0x4b: {  	[tilespmem:$0x1270] =	vst v0  }
0x4c: {  	[tilespmem:$0x1280] =	vst v0  }
0x4d: {  	[tilespmem:$0x1290] =	vst v0  }
0x4e: {  	[tilespmem:$0x12A0] =	vst v0  }
0x4f: {  	[tilespmem:$0x12B0] =	vst v0  }
0x50: {  	[tilespmem:$0x12C0] =	vst v0  }
0x51: {  	[tilespmem:$0x12D0] =	vst v0  }
0x52: {  	[tilespmem:$0x12E0] =	vst v0  }
0x53: {  	[tilespmem:$0x12F0] =	vst v0  }
0x54: {  	[tilespmem:$0x1300] =	vst v0  }
0x55: {  	[tilespmem:$0x1310] =	vst v0  }
0x56: {  	[tilespmem:$0x1320] =	vst v0  }
0x57: {  	[tilespmem:$0x1330] =	vst v0  }
0x58: {  	[tilespmem:$0x1340] =	vst v0  }
0x59: {  	[tilespmem:$0x1350] =	vst v0  }
0x5a: {  	[tilespmem:$0x1360] =	vst v0  }
0x5b: {  	[tilespmem:$0x1370] =	vst v0  }
0x5c: {  	[tilespmem:$0x1380] =	vst v0  }
0x5d: {  	[tilespmem:$0x1390] =	vst v0  }
0x5e: {  	[tilespmem:$0x13A0] =	vst v0  }
0x5f: {  	[tilespmem:$0x13B0] =	vst v0  }
0x60: {  	[tilespmem:$0x13C0] =	vst v0  }
0x61: {  	[tilespmem:$0x13D0] =	vst v0  }
0x62: {  	[tilespmem:$0x13E0] =	vst v0  }
0x63: {  	s20 =	simm.s32 $0x0;
	[tilespmem:$0x13F0] =	vst v0  }
.LBB2_2:
0x64: {  	v2 =	vmov s20;
	s0 =	simm.s32 $0x500  }
0x65: {  	s8 =	simm.s32 $0x0;
	v8 =	vld [tilespmem:s0+$0x0]  }
0x66: {  	s22 =	simm.s32 $0x780;
	v9 =	vld [tilespmem:s8+$0x0]  }
0x67: {  	s4 =	simm.s32 $0x280;
	v10 =	vld [tilespmem:s22+$0x0]  }
0x68: {  	v11 =	vld [tilespmem:s4+$0x0]  }
0x69: {  	v4 =	vld.idx.msk [tilespmem:v2+s23+$0x0], $0xffff  }
0x6a: {  	v3 =	vld.idx.msk [tilespmem:v2+s24+$0x0], $0xffff  }
0x6b: {  	v6 =	vld.idx.msk [tilespmem:v2+s25+$0x0], $0xffff  }
0x6c: {  	v5 =	vld.idx.msk [tilespmem:v2+s26+$0x0], $0xffff;
	_ =	sdelay $0x1  }
0x6d: {  	s22 =	simm.s32 $0xA00  }
0x6e: {  	v12 =	vld [tilespmem:s22+$0x0]  }
0x6f: {  	v7 =	vld.idx.msk [tilespmem:v2+s28+$0x0], $0xffff;
	v8 =	vmin.f32 v8, v6  }
0x70: {  	v9 =	vmax.f32 v9, v4;
	v10 =	vmin.f32 v10, v5;
	v11 =	vmax.f32 v11, v3  }
0x71: {  	v8 =	vsub.f32 v8, v9;
	v9 =	vsub.f32 v10, v11;
	_ =	sdelay $0x1  }
0x72: {  	v8 =	vmax.f32 v8, $0.0e+00;
	v9 =	vmax.f32 v9, $0.0e+00  }
0x73: {  	v8 =	vmul.f32 v9, v8;
	v9 =	vadd.f32 v12, v7;
	_ =	sdelay $0x1  }
0x74: {  	v9 =	vsub.f32 v9, v8;
	_ =	sdelay $0x1  }
0x75: {  	(erf) = vrcp.f32 v9;
	_ =	sdelay $0x5  }
0x76: {  	s21 =	simm.s32 $0x1180  }
0x77: {  	v9 =	vld [tilespmem:s21+$0x0];
	_ =	sdelay $0x1  }
0x78: {  	v10 =	vpop (erf)  }
0x79: {  	v8 =	vmul.f32 v10, v8;
	_ =	sdelay $0x1  }
0x7a: {  	v9 =	vmax.f32 v9, v8  }
0x7b: {  	s4 =	simm.s32 $0x510;
	[tilespmem:s21+$0x0] =	vst v9  }
0x7c: {  	s5 =	simm.s32 $0x10;
	v10 =	vld [tilespmem:s4+$0x0]  }
0x7d: {  	s6 =	simm.s32 $0x790;
	v9 =	vimm.f32 $-1.000000000e+00;
	v11 =	vld [tilespmem:s5+$0x0]  }
0x7e: {  	v13 =	vimm.s32 $0x0;
	s7 =	simm.s32 $0x290;
	vm0 =	vgt.f32 v8, v9;
	v12 =	vld [tilespmem:s6+$0x0]  }
0x7f: {  	s0 =	simm.s32 $0x1;
	v9 =	vmax.f32 v9, v8;
	v8 =	vsel vm0, s8, v13;
	v13 =	vld [tilespmem:s7+$0x0];
	s8 =	simm.s32 $0x2  }
.LBB2_3:
0x80: {  	p0 =	sne.s32 s8, $0x27;
	_ =	sdelay $0x1  }
0x81: {  	s22 =	sadd.s32 $0x10, s22  }
0x82: {  	v10 =	vmin.f32 v10, v6;
	v14 =	vld [tilespmem:s22+$0x0]  }
0x83: {  	v11 =	vmax.f32 v11, v4;
	v12 =	vmin.f32 v12, v5;
	v13 =	vmax.f32 v13, v3  }
0x84: {  	v10 =	vsub.f32 v10, v11;
	v11 =	vsub.f32 v12, v13;
	_ =	sdelay $0x1  }
0x85: {  	v10 =	vmax.f32 v10, $0.0e+00;
	v11 =	vmax.f32 v11, $0.0e+00  }
0x86: {  	v10 =	vmul.f32 v11, v10;
	v11 =	vadd.f32 v14, v7;
	_ =	sdelay $0x1  }
0x87: {  	v11 =	vsub.f32 v11, v10;
	_ =	sdelay $0x1  }
0x88: {  	(erf) = vrcp.f32 v11;
	_ =	sdelay $0x5  }
0x89: {  	s21 =	sadd.s32 $0x10, s21  }
0x8a: {  	v11 =	vld [tilespmem:s21+$0x0];
	_ =	sdelay $0x1  }
0x8b: {  	v12 =	vpop (erf)  }
0x8c: {  	v10 =	vmul.f32 v12, v10;
	_ =	sdelay $0x1  }
0x8d: {  	v11 =	vmax.f32 v11, v10;
	vm0 =	vgt.f32 v10, v9;
	v9 =	vmax.f32 v9, v10  }
.Ltmp0:
0x8e: {  	s4 =	sadd.s32 $0x10, s4;
	[tilespmem:s21+$0x0] =	vst v11;
	v8 =	vsel vm0, s0, v8;
	s0 =	smov.u32 s8;
	(pc) =	sbr.rel @p0 .LBB2_3-.Ltmp0, $4  }
0x8f: {  	s5 =	sadd.s32 $0x10, s5;
	v10 =	vld [tilespmem:s4+$0x0]  }
0x90: {  	s6 =	sadd.s32 $0x10, s6;
	v11 =	vld [tilespmem:s5+$0x0]  }
0x91: {  	s7 =	sadd.s32 $0x10, s7;
	v12 =	vld [tilespmem:s6+$0x0]  }
0x92: {  	s8 =	sadd.s32 $0x1, s8;
	v13 =	vld [tilespmem:s7+$0x0]  }
0x93: {  	_ =	sdelay $0x1  }
0x94: {  	s4 =	sadd.s32 $0x10, s22  }
0x95: {  	v6 =	vmin.f32 v10, v6;
	v58 =	vld [tilespmem:s4+$0x0]  }
0x96: {  	v4 =	vmax.f32 v11, v4;
	v5 =	vmin.f32 v12, v5;
	v3 =	vmax.f32 v13, v3  }
0x97: {  	v4 =	vsub.f32 v6, v4;
	v3 =	vsub.f32 v5, v3;
	_ =	sdelay $0x1  }
0x98: {  	v4 =	vmax.f32 v4, $0.0e+00;
	v3 =	vmax.f32 v3, $0.0e+00  }
0x99: {  	v59 =	vadd.f32 v58, v7;
	v3 =	vmul.f32 v3, v4;
	_ =	sdelay $0x1  }
0x9a: {  	v4 =	vsub.f32 v59, v3;
	_ =	sdelay $0x1  }
0x9b: {  	(erf) = vrcp.f32 v4;
	_ =	sdelay $0x8  }
0x9c: {  	v4 =	vpop (erf)  }
0x9d: {  	v3 =	vmul.f32 v4, v3;
	_ =	sdelay $0x1  }
0x9e: {  	v4 =	vmax.f32 v9, v3  }
0x9f: {  	(xrf0) =	vmax.scan.msk.f32 $0xffff, v4;
	_ =	sdelay $0x5  }
0xa0: {  	vm0 =	vgt.f32 v3, v9;
	v60, _, _ =	vpop (xrf0)  }
0xa1: {  	v61 =	vsel vm0, s0, v8;
	v5 =	vbroadcast v60, $0xF  }
0xa2: {  	v6 =	vshll.u32 v61, $0x4  }
0xa3: {  	v62 =	vxor.u32 v1, v6;
	vm15 =	veq.f32 v4, v5  }
0xa4: {  	v4 =	vnsel vm15, $0xC0000000, v62  }
0xa5: {  	(xrf0) =	vmin.scan.msk.u32 $0xffff, v4;
	_ =	sdelay $0x5  }
0xa6: {  	v4, _, _ =	vpop (xrf0)  }
0xa7: {  	(v2sf) =	vpush v4, $0xF;
	_ =	sdelay $0x9  }
0xa8: {  	s8 =	sadd.s32 $0x10, s21  }
0xa9: {  	v63 =	vld [tilespmem:s8+$0x0];
	_ =	sdelay $0x1  }
0xaa: {  	s20 =	sadd.s32 $0x1, s20  }
0xab: {  	p0 =	sne.s32 s20, $0x100  }
.Ltmp1:
0xac: {  	s21 =	spop (v2sf);
	(pc) =	sbr.rel @p0 .LBB2_2-.Ltmp1, $4  }
0xad: {  	v3 =	vmax.f32 v63, v3;
	s4 =	sadd.s32 s21, s3  }
0xae: {  	[tilespmem:s8+$0x0] =	vst v3;
	s22 =	sadd.s32 $0x80000000, s4  }
0xaf: {  	[tilespmem:v2+s29+$0x0] =	vst.idx.msk $0x1, v5;
	v3 =	vmov s22  }
0xb0: {  	[tilespmem:v2+s30+$0x0] =	vst.idx.msk $0x1, v3  }
0xb1: {  	[hbm4b:s14+s31] =	stream.strided.scatter [tilespmem:s29], [sflag:$0x1], $0x100, s1, s31, $0x38;
	[tilespmem:$0x1600] =	vst v63  }
0xb2: {  	_ =	swait.ge [sflag:s18], $0x100  }
0xb3: {  	[sflag:s18] =	ssyncset.done $0x0  }
0xb4: {  	[sflag:s18] =	ssyncadd.s32 $0xFFFFFF00  }
0xb5: {  	[hbm4b:s15+s31] =	stream.strided.scatter [tilespmem:s30], [sflag:$0x1], $0x100, s1, s31, $0x38;
	[tilespmem:$0x1600] =	vst v63  }
0xb6: {  	s19 =	sadd.s32 $0x1, s19;
	_ =	swait.ge [sflag:s18], $0x100  }
0xb7: {  	p0 =	sne.s32 s19, s17;
	[sflag:s18] =	ssyncset.done $0x0  }
.Ltmp2:
0xb8: {  	s0 =	simm.s32 $0x1180;
	[sflag:s18] =	ssyncadd.s32 $0xFFFFFF00;
	(pc) =	sbr.rel @p0 .LBB2_1-.Ltmp2, $4  }
0xb9: {  	[hbm4b:s16+s31] =	stream.strided.scatter [tilespmem:s0], [sflag:$0x1], $0x280, s1, s31, $0x38;
	[tilespmem:$0x1600] =	vst v63  }
0xba: {  	_ =	swait.ge [sflag:s18], $0x280  }
0xbb: {  	[sflag:s18] =	ssyncset.done $0x0  }
0xbc: {  	[sflag:s18] =	ssyncadd.s32 $0xFFFFFD80  }
0xbd: {  	_ =	sfence.sel $0x180000  }
0xbe: {  	[bflag:$0x0] =	sbarrier.arrive $0xFFFF  }
0xbf: {  	_ =	strace $0x90000047  }
0xc0: {  	s0 =	stileid.u32;
	[bflag:$0x2] =	sbarrier.arrive $0xFFFF  }
0xc1: {  	p0 =	sne.s32 s0, $0x0;
	s0 =	rddreg [dreg:$0x1]  }
0xc2: {  	s0 =	sadd.s32 @!p0 $0x100000, s0  }
0xc3: {  	[sflag:s0] =	ssyncadd.tile.s32 @!p0 $0x1;
	_ =	shalt  }
.Lfunc_end2:
_tile_overlayer_lowered:
.L_overlay_start_2:
0xc4: {  	(tag) =	ssettag $0x2  }
0xc5: {  	s0 =	rddreg [dreg:$0x0];
	s2 =	stileid.u32  }
0xc6: {  	s1 =	rddreg [dreg:$0x1];
	p0 =	sne.s32 s2, $0x0  }
0xc7: {  	s3 =	rddreg [dreg:$0x2];
	[bflag:$0x3] =	sbarrier.arrive $0xFFFF;
	s2 =	simm.s32 @!p0 $0x1C01  }
0xc8: {  	[timem:s3], [sflag:s2] =	dma.local @!p0 [hbm:s0], s1  }
0xc9: {  	s0 =	simm.s32 @!p0 $0x1  }
0xca: {  	_ =	swait.ge @!p0 [sflag:s0], s1  }
0xcb: {  	s1 =	ssub.s32 @!p0 $0x0, s1;
	[sflag:s0] =	ssyncset.done @!p0 $0x0  }
0xcc: {  	[sflag:s0] =	ssyncadd.s32 @!p0 s1  }
0xcd: {  	[bflag:$0x3] =	sbarrier.arrive $0xFFFF  }
0xce: {  	_ =	shalt  }

</sc_bundles>
